<compile_context>
chip_gen: v7x
topology: tpu7x:2x2x1
jax: 0.10.2.dev20260603
libtpu: 0.0.44.dev20260713+nightly
codegen_flags: <defaults>
</compile_context>

<pallas_src>
import functools

import jax
import jax.numpy as jnp
from jax import lax
from jax.experimental import pallas as pl
from jax.experimental.pallas import tpu as pltpu
from jax.experimental.pallas import tpu_sc as plsc

D_MODEL = 2048
N_LAYERS = 24
EARLY = 3
LATE = 3
SEQ_LEN = 4096
BATCH = 4
MIN_V = 0.01
MAX_V = 1.0
TEMPERATURE = 1.0
FLOPS_PER_LAYER = float(
    12 * SEQ_LEN * D_MODEL * D_MODEL + 2 * SEQ_LEN * SEQ_LEN * D_MODEL
)
MID = 7

N_TOK = BATCH * SEQ_LEN
L = 16
NC = 1
NS = 16
NW = NC * NS
CHUNK = N_TOK // NW

_mesh = plsc.VectorSubcoreMesh(core_axis_name="c", subcore_axis_name="s", num_cores=1)


@functools.partial(
    pl.kernel,
    mesh=_mesh,
    out_type=[
        jax.ShapeDtypeStruct((BATCH, SEQ_LEN), jnp.float32),
        jax.ShapeDtypeStruct((BATCH, SEQ_LEN), jnp.float32),
        jax.ShapeDtypeStruct((BATCH, SEQ_LEN), jnp.float32),
    ],
    scratch_types=[
        pltpu.VMEM((CHUNK,), jnp.float32),
        pltpu.VMEM((CHUNK,), jnp.float32),
        pltpu.VMEM((CHUNK,), jnp.float32),
        pltpu.VMEM((CHUNK,), jnp.float32),
        pltpu.VMEM((L,), jnp.float32),
        pltpu.SemaphoreType.DMA,
        pltpu.SemaphoreType.DMA,
        pltpu.SemaphoreType.DMA,
    ],
)
def _router(sig_hbm, tau_hbm,
            gate_hbm, soft_hbm, upd_hbm,
            sig_v, gate_v, soft_v, upd_v, tau_v,
            in_sem, tau_sem, out_sem):
    wid = lax.axis_index("s") * NC + lax.axis_index("c")
    wpr = SEQ_LEN // CHUNK
    row = wid // wpr
    col = (wid % wpr) * CHUNK
    cp_tau = pltpu.async_copy(tau_hbm.at[pl.ds(0, L)], tau_v, tau_sem)
    cp_sig = pltpu.async_copy(sig_hbm.at[row, pl.ds(col, CHUNK)], sig_v, in_sem)
    cp_tau.wait()

    lanes = lax.iota(jnp.int32, L)
    zero = jnp.full((L,), 0.0, jnp.float32)
    one = jnp.full((L,), 1.0, jnp.float32)
    flops = jnp.full((L,), FLOPS_PER_LAYER, jnp.float32)

    logit = tau_v[...].at[lanes * 0 + MID].get(mode="promise_in_bounds")
    tau_b = MIN_V + (MAX_V - MIN_V) * (one / (one + jnp.exp(-logit)))

    cp_sig.wait()
    inv_t = 1.0 / TEMPERATURE

    @plsc.parallel_loop(0, CHUNK, step=L, unroll=2)
    def _body(i):
        sl = pl.ds(i, L)
        v = sig_v[sl]
        soft = one / (one + jnp.exp((tau_b - v) * inv_t))
        on = v > tau_b
        gate_v[sl] = jnp.where(on, one, zero)
        soft_v[sl] = soft
        upd_v[sl] = jnp.where(on, zero, flops)

    cs = [
        pltpu.async_copy(gate_v, gate_hbm.at[row, pl.ds(col, CHUNK)], out_sem),
        pltpu.async_copy(soft_v, soft_hbm.at[row, pl.ds(col, CHUNK)], out_sem),
        pltpu.async_copy(upd_v, upd_hbm.at[row, pl.ds(col, CHUNK)], out_sem),
    ]
    for c in cs:
        c.wait()


def kernel(signal, layer_idx, cumulative_skipped_flops, tau_logits):
    del layer_idx, cumulative_skipped_flops
    gate, soft, upd = _router(signal, tau_logits)
    return gate, soft, upd

# --- scband reference (transcript-rebuilt; emitter-appended) ---
"""Pipeline reference for scband-elastic-router-32246614459092 (READ-ONLY COPY).

The authoritative reference and input builder live on the scoring server;
editing this copy changes nothing except your own understanding.
"""

import jax, jax.numpy as jnp
import numpy as np
import math

D_MODEL = 2048
N_LAYERS = 24
EARLY = 3
LATE = 3
SEQ_LEN = 4096
BATCH = 4
INIT_THRESHOLD = 0.1
MIN_V = 0.01
MAX_V = 1.0
TEMPERATURE = 1.0

def layer_flops(d_model, seq_len):
    # approx transformer layer FLOPs: 12*S*d^2 (proj + MLP) + 2*S^2*d (attention)
    return 12 * seq_len * d_model * d_model + 2 * seq_len * seq_len * d_model

FLOPS_PER_LAYER = float(layer_flops(D_MODEL, SEQ_LEN))

def setup_inputs(seed: int = 0) -> dict:
    key = jax.random.key(seed)
    k1, _ = jax.random.split(key)
    n_middle = N_LAYERS - EARLY - LATE
    init_logit = math.log(INIT_THRESHOLD / (1.0 - INIT_THRESHOLD + 1e-08))
    return {
        "signal": jax.random.uniform(k1, (BATCH, SEQ_LEN), dtype=jnp.float32),
        "layer_idx": 10,
        "cumulative_skipped_flops": jnp.zeros((BATCH, SEQ_LEN), dtype=jnp.float32),
        "tau_logits": jnp.full((n_middle,), init_logit, dtype=jnp.float32),
    }

def reference(signal, layer_idx, cumulative_skipped_flops, tau_logits):
    always_on = jnp.logical_or(layer_idx < EARLY, layer_idx >= N_LAYERS - LATE)
    mid = jnp.clip(layer_idx - EARLY, 0, tau_logits.shape[0] - 1)
    # LearnedThreshold: sigmoid(tau_logits[mid]) mapped to [min, max]
    tau = jax.nn.sigmoid(tau_logits[mid])
    tau = MIN_V + tau * (MAX_V - MIN_V)
    # ThresholdRouter with straight-through estimator
    soft_gate_mid = jax.nn.sigmoid((signal - tau) / TEMPERATURE)
    hard_gate = (signal > tau).astype(jnp.float32)
    gate_mid = hard_gate - jax.lax.stop_gradient(soft_gate_mid) + soft_gate_mid
    # tokens with gate==0 skip this layer -> accumulate skipped FLOPs
    updated_mid = cumulative_skipped_flops + (1.0 - gate_mid) * FLOPS_PER_LAYER
    ones = jnp.ones_like(signal)
    gate = jnp.where(always_on, ones, gate_mid)
    soft_gate = jnp.where(always_on, ones, soft_gate_mid)
    updated = jnp.where(always_on, cumulative_skipped_flops, updated_mid)
    return (gate, soft_gate, updated)

if __name__ == "__main__":
    import jax
    _d = setup_inputs()
    print(jax.jit(kernel)(*tuple(_d.values())))

</pallas_src>

<mosaic_0001>
#map = affine_map<(d0, d1) -> (0, 0)>
#map1 = affine_map<(d0, d1) -> (0)>
module attributes {stable_mosaic.version = 14 : i64} {
  func.func @_router(%arg0: i32, %arg1: i32, %arg2: memref<4x4096xf32, #tpu.memory_space<hbm>>, %arg3: memref<18xf32, #tpu.memory_space<hbm>>, %arg4: memref<4x4096xf32, #tpu.memory_space<hbm>>, %arg5: memref<4x4096xf32, #tpu.memory_space<hbm>>, %arg6: memref<4x4096xf32, #tpu.memory_space<hbm>>, %arg7: memref<1024xf32, #tpu.memory_space<vmem>>, %arg8: memref<1024xf32, #tpu.memory_space<vmem>>, %arg9: memref<1024xf32, #tpu.memory_space<vmem>>, %arg10: memref<1024xf32, #tpu.memory_space<vmem>>, %arg11: memref<16xf32, #tpu.memory_space<vmem>>, %arg12: memref<!tpu.dma_semaphore, #tpu.memory_space<semaphore_mem>>, %arg13: memref<!tpu.dma_semaphore, #tpu.memory_space<semaphore_mem>>, %arg14: memref<!tpu.dma_semaphore, #tpu.memory_space<semaphore_mem>>) attributes {dimension_semantics = [#tpu.dimension_semantics<core_parallel>, #tpu.dimension_semantics<subcore_parallel>], iteration_bounds = array<i64: 1, 16>, scalar_prefetch = 0 : i64, scratch_operands = 8 : i64, tpu.core_type = #tpu.core_type<sc_vector_subcore>, window_params = [{transform_indices = #map}, {transform_indices = #map1}, {transform_indices = #map}, {transform_indices = #map}, {transform_indices = #map}]} {
    %mul3A = arith.constant 1 : i32
    %mul3A_0 = arith.muli %arg1, %mul3A : i32
    %add3A = arith.addi %mul3A_0, %arg0 : i32
    %jit3A = arith.constant 4 : i32
    %div3A = arith.divsi %add3A, %jit3A : i32
    %sign3A = arith.constant 0 : i32
    %sign3A_1 = arith.cmpi sgt, %add3A, %sign3A : i32
    %sign3A_2 = arith.extui %sign3A_1 : i1 to i32
    %sign3A_3 = arith.constant 0 : i32
    %sign3A_4 = arith.cmpi slt, %add3A, %sign3A_3 : i32
    %sign3A_5 = arith.extui %sign3A_4 : i1 to i32
    %sign3A_6 = arith.subi %sign3A_2, %sign3A_5 : i32
    %sign3A_7 = arith.constant 0 : i32
    %sign3A_8 = arith.cmpi sgt, %jit3A, %sign3A_7 : i32
    %sign3A_9 = arith.extui %sign3A_8 : i1 to i32
    %sign3A_10 = arith.constant 0 : i32
    %sign3A_11 = arith.cmpi slt, %jit3A, %sign3A_10 : i32
    %sign3A_12 = arith.extui %sign3A_11 : i1 to i32
    %sign3A_13 = arith.subi %sign3A_9, %sign3A_12 : i32
    %ne3A = arith.cmpi ne, %sign3A_6, %sign3A_13 : i32
    %rem3A = arith.remsi %add3A, %jit3A : i32
    %ne3A_14 = arith.constant 0 : i32
    %ne3A_15 = arith.cmpi ne, %rem3A, %ne3A_14 : i32
    %and3A = arith.andi %ne3A, %ne3A_15 : i1
    %sub3A = arith.constant 1 : i32
    %sub3A_16 = arith.subi %div3A, %sub3A : i32
    %select_n3A = arith.select %and3A, %sub3A_16, %div3A : i32
    %jit3A_17 = arith.constant 4 : i32
    %eq3A = arith.constant 0 : i32
    %eq3A_18 = arith.cmpi eq, %jit3A_17, %eq3A : i32
    %jit3A_19 = arith.constant 1 : i32
    %select_n3A_20 = arith.select %eq3A_18, %jit3A_19, %jit3A_17 : i32
    %rem3A_21 = arith.remsi %add3A, %select_n3A_20 : i32
    %ne3A_22 = arith.constant 0 : i32
    %ne3A_23 = arith.cmpi ne, %rem3A_21, %ne3A_22 : i32
    %lt3A = arith.constant 0 : i32
    %lt3A_24 = arith.cmpi slt, %rem3A_21, %lt3A : i32
    %lt3A_25 = arith.constant 0 : i32
    %lt3A_26 = arith.cmpi slt, %select_n3A_20, %lt3A_25 : i32
    %ne3A_27 = arith.xori %lt3A_24, %lt3A_26 : i1
    %and3A_28 = arith.andi %ne3A_27, %ne3A_23 : i1
    %add3A_29 = arith.addi %rem3A_21, %select_n3A_20 : i32
    %select_n3A_30 = arith.select %and3A_28, %add3A_29, %rem3A_21 : i32
    %mul3A_31 = arith.constant 1024 : i32
    %mul3A_32 = arith.muli %select_n3A_30, %mul3A_31 : i32
    %dma_start3A = arith.constant 0 : i32
    %dma_start3A_33 = tpu.memref_slice %arg3[%dma_start3A] : memref<18xf32, #tpu.memory_space<hbm>> -> memref<16xf32, #tpu.memory_space<hbm>>
    %dma_start3A_34 = arith.constant 0 : i32
    %dma_start3A_35 = tpu.memref_slice %arg3[%dma_start3A_34] : memref<18xf32, #tpu.memory_space<hbm>> -> memref<16xf32, #tpu.memory_space<hbm>>
    tpu.enqueue_dma source(%dma_start3A_35 : memref<16xf32, #tpu.memory_space<hbm>>) target(%arg11 : memref<16xf32, #tpu.memory_space<vmem>>) target_semaphore(%arg13 : memref<!tpu.dma_semaphore, #tpu.memory_space<semaphore_mem>>)
    %dma_start3A_36 = tpu.memref_slice %arg2[%select_n3A, %mul3A_32] : memref<4x4096xf32, #tpu.memory_space<hbm>> -> memref<1x1024xf32, #tpu.memory_space<hbm>>
    %dma_start3A_37 = tpu.memref_squeeze %dma_start3A_36 : memref<1x1024xf32, #tpu.memory_space<hbm>> -> memref<1024xf32, #tpu.memory_space<hbm>>
    %dma_start3A_38 = tpu.memref_slice %arg2[%select_n3A, %mul3A_32] : memref<4x4096xf32, #tpu.memory_space<hbm>> -> memref<1x1024xf32, #tpu.memory_space<hbm>>
    %dma_start3A_39 = tpu.memref_squeeze %dma_start3A_38 : memref<1x1024xf32, #tpu.memory_space<hbm>> -> memref<1024xf32, #tpu.memory_space<hbm>>
    tpu.enqueue_dma source(%dma_start3A_39 : memref<1024xf32, #tpu.memory_space<hbm>>) target(%arg7 : memref<1024xf32, #tpu.memory_space<vmem>>) target_semaphore(%arg12 : memref<!tpu.dma_semaphore, #tpu.memory_space<semaphore_mem>>)
    %dma_wait3A = arith.constant 0 : i32
    %dma_wait3A_40 = tpu.memref_slice %arg3[%dma_wait3A] : memref<18xf32, #tpu.memory_space<hbm>> -> memref<16xf32, #tpu.memory_space<hbm>>
    %dma_wait3A_41 = arith.constant 0 : i32
    %dma_wait3A_42 = tpu.memref_slice %arg3[%dma_wait3A_41] : memref<18xf32, #tpu.memory_space<hbm>> -> memref<16xf32, #tpu.memory_space<hbm>>
    tpu.wait_dma2 semaphore(%arg13 : memref<!tpu.dma_semaphore, #tpu.memory_space<semaphore_mem>>) src(%dma_wait3A_42 : memref<16xf32, #tpu.memory_space<hbm>>) dst(%arg11 : memref<16xf32, #tpu.memory_space<vmem>>)
    %iota3A = tpu.iota {dimensions = array<i32: 0>} : vector<16xi32>
    %broadcast_in_dim3A = arith.constant 0.000000e+00 : f32
    %broadcast_in_dim3A_43 = vector.broadcast %broadcast_in_dim3A : f32 to vector<16xf32>
    %broadcast_in_dim3A_44 = arith.constant 1.000000e+00 : f32
    %broadcast_in_dim3A_45 = vector.broadcast %broadcast_in_dim3A_44 : f32 to vector<16xf32>
    %broadcast_in_dim3A_46 = arith.constant 2.74877907E+11 : f32
    %broadcast_in_dim3A_47 = vector.broadcast %broadcast_in_dim3A_46 : f32 to vector<16xf32>
    %get3A = arith.constant 0 : index
    %get3A_48 = tpu.vector_load %arg11[%get3A] {strides = array<i32>} : memref<16xf32, #tpu.memory_space<vmem>>, vector<16xf32>,
    %get3A_49 = vector.shape_cast %get3A_48 : vector<16xf32> to vector<16xf32>
    %mul3A_50 = arith.constant 0 : i32
    %mul3A_51 = vector.broadcast %mul3A_50 : i32 to vector<16xi32>
    %mul3A_52 = arith.muli %iota3A, %mul3A_51 : vector<16xi32>
    %add3A_53 = arith.constant 7 : i32
    %add3A_54 = vector.broadcast %add3A_53 : i32 to vector<16xi32>
    %add3A_55 = arith.addi %mul3A_52, %add3A_54 : vector<16xi32>
    %lt3A_56 = arith.constant 0 : i32
    %lt3A_57 = vector.broadcast %lt3A_56 : i32 to vector<16xi32>
    %lt3A_58 = arith.cmpi slt, %add3A_55, %lt3A_57 : vector<16xi32>
    %add3A_59 = arith.constant 16 : i32
    %add3A_60 = vector.broadcast %add3A_59 : i32 to vector<16xi32>
    %add3A_61 = arith.addi %add3A_55, %add3A_60 : vector<16xi32>
    %select_n3A_62 = arith.select %lt3A_58, %add3A_61, %add3A_55 : vector<16xi1>, vector<16xi32>
    %broadcast_in_dim3A_63 = vector.shape_cast %select_n3A_62 : vector<16xi32> to vector<16x1xi32>
    %gather3A = vector.shape_cast %broadcast_in_dim3A_63 : vector<16x1xi32> to vector<16xi32>
    %gather3A_64 = tpu.dynamic_gather %get3A_49[%gather3A] in [0] : vector<16xf32>, vector<16xi32> -> vector<16xf32>
    %neg3A = arith.constant 0.000000e+00 : f32
    %neg3A_65 = vector.broadcast %neg3A : f32 to vector<16xf32>
    %neg3A_66 = arith.subf %neg3A_65, %gather3A_64 : vector<16xf32>
    %exp3A = math.exp %neg3A_66 : vector<16xf32>
    %add3A_67 = arith.addf %broadcast_in_dim3A_45, %exp3A : vector<16xf32>
    %div3A_68 = arith.divf %broadcast_in_dim3A_45, %add3A_67 : vector<16xf32>
    %mul3A_69 = arith.constant 9.900000e-01 : f32
    %mul3A_70 = vector.broadcast %mul3A_69 : f32 to vector<16xf32>
    %mul3A_71 = arith.mulf %mul3A_70, %div3A_68 : vector<16xf32>
    %add3A_72 = arith.constant 0.00999999977 : f32
    %add3A_73 = vector.broadcast %add3A_72 : f32 to vector<16xf32>
    %add3A_74 = arith.addf %add3A_73, %mul3A_71 : vector<16xf32>
    %dma_wait3A_75 = tpu.memref_slice %arg2[%select_n3A, %mul3A_32] : memref<4x4096xf32, #tpu.memory_space<hbm>> -> memref<1x1024xf32, #tpu.memory_space<hbm>>
    %dma_wait3A_76 = tpu.memref_squeeze %dma_wait3A_75 : memref<1x1024xf32, #tpu.memory_space<hbm>> -> memref<1024xf32, #tpu.memory_space<hbm>>
    %dma_wait3A_77 = tpu.memref_slice %arg2[%select_n3A, %mul3A_32] : memref<4x4096xf32, #tpu.memory_space<hbm>> -> memref<1x1024xf32, #tpu.memory_space<hbm>>
    %dma_wait3A_78 = tpu.memref_squeeze %dma_wait3A_77 : memref<1x1024xf32, #tpu.memory_space<hbm>> -> memref<1024xf32, #tpu.memory_space<hbm>>
    tpu.wait_dma2 semaphore(%arg12 : memref<!tpu.dma_semaphore, #tpu.memory_space<semaphore_mem>>) src(%dma_wait3A_78 : memref<1024xf32, #tpu.memory_space<hbm>>) dst(%arg7 : memref<1024xf32, #tpu.memory_space<vmem>>)
    %parallel_loop3A = arith.constant 0 : i32
    %parallel_loop3A_79 = arith.constant 1024 : i32
    %parallel_loop3A_80 = arith.constant 16 : i32
    scf.for %parallel_loop3A_105 = %parallel_loop3A to %parallel_loop3A_79 step %parallel_loop3A_80  : i32 {
      %parallel_loop3A_106 = arith.index_cast %parallel_loop3A_105 : i32 to index
      %parallel_loop3A_107 = tpu.vector_load %arg7[%parallel_loop3A_106] {strides = array<i32>} : memref<1024xf32, #tpu.memory_space<vmem>>, vector<16xf32>,
      %parallel_loop3A_108 = vector.shape_cast %parallel_loop3A_107 : vector<16xf32> to vector<16xf32>
      %parallel_loop3A_109 = arith.subf %add3A_74, %parallel_loop3A_108 : vector<16xf32>
      %parallel_loop3A_110 = arith.constant 1.000000e+00 : f32
      %parallel_loop3A_111 = vector.broadcast %parallel_loop3A_110 : f32 to vector<16xf32>
      %parallel_loop3A_112 = arith.mulf %parallel_loop3A_109, %parallel_loop3A_111 : vector<16xf32>
      %parallel_loop3A_113 = math.exp %parallel_loop3A_112 : vector<16xf32>
      %parallel_loop3A_114 = arith.addf %broadcast_in_dim3A_45, %parallel_loop3A_113 : vector<16xf32>
      %parallel_loop3A_115 = arith.divf %broadcast_in_dim3A_45, %parallel_loop3A_114 : vector<16xf32>
      %parallel_loop3A_116 = arith.cmpf ogt, %parallel_loop3A_108, %add3A_74 : vector<16xf32>
      %parallel_loop3A_117 = arith.select %parallel_loop3A_116, %broadcast_in_dim3A_45, %broadcast_in_dim3A_43 : vector<16xi1>, vector<16xf32>
      %parallel_loop3A_118 = arith.index_cast %parallel_loop3A_105 : i32 to index
      %parallel_loop3A_119 = tpu.vector_load %arg8[%parallel_loop3A_118] {strides = array<i32>} : memref<1024xf32, #tpu.memory_space<vmem>>, vector<16xf32>,
      %parallel_loop3A_120 = vector.shape_cast %parallel_loop3A_119 : vector<16xf32> to vector<16xf32>
      %parallel_loop3A_121 = vector.shape_cast %parallel_loop3A_117 : vector<16xf32> to vector<16xf32>
      tpu.vector_store %arg8[%parallel_loop3A_118], %parallel_loop3A_121 {strides = array<i32>} : memref<1024xf32, #tpu.memory_space<vmem>>, vector<16xf32>,
      %parallel_loop3A_122 = arith.index_cast %parallel_loop3A_105 : i32 to index
      %parallel_loop3A_123 = tpu.vector_load %arg9[%parallel_loop3A_122] {strides = array<i32>} : memref<1024xf32, #tpu.memory_space<vmem>>, vector<16xf32>,
      %parallel_loop3A_124 = vector.shape_cast %parallel_loop3A_123 : vector<16xf32> to vector<16xf32>
      %parallel_loop3A_125 = vector.shape_cast %parallel_loop3A_115 : vector<16xf32> to vector<16xf32>
      tpu.vector_store %arg9[%parallel_loop3A_122], %parallel_loop3A_125 {strides = array<i32>} : memref<1024xf32, #tpu.memory_space<vmem>>, vector<16xf32>,
      %parallel_loop3A_126 = arith.select %parallel_loop3A_116, %broadcast_in_dim3A_43, %broadcast_in_dim3A_47 : vector<16xi1>, vector<16xf32>
      %parallel_loop3A_127 = arith.index_cast %parallel_loop3A_105 : i32 to index
      %parallel_loop3A_128 = tpu.vector_load %arg10[%parallel_loop3A_127] {strides = array<i32>} : memref<1024xf32, #tpu.memory_space<vmem>>, vector<16xf32>,
      %parallel_loop3A_129 = vector.shape_cast %parallel_loop3A_128 : vector<16xf32> to vector<16xf32>
      %parallel_loop3A_130 = vector.shape_cast %parallel_loop3A_126 : vector<16xf32> to vector<16xf32>
      tpu.vector_store %arg10[%parallel_loop3A_127], %parallel_loop3A_130 {strides = array<i32>} : memref<1024xf32, #tpu.memory_space<vmem>>, vector<16xf32>,
    } {sc.loop_unroll_factor = 2 : i64, sc.parallel_access}
    %dma_start3A_81 = tpu.memref_slice %arg4[%select_n3A, %mul3A_32] : memref<4x4096xf32, #tpu.memory_space<hbm>> -> memref<1x1024xf32, #tpu.memory_space<hbm>>
    %dma_start3A_82 = tpu.memref_squeeze %dma_start3A_81 : memref<1x1024xf32, #tpu.memory_space<hbm>> -> memref<1024xf32, #tpu.memory_space<hbm>>
    %dma_start3A_83 = tpu.memref_slice %arg4[%select_n3A, %mul3A_32] : memref<4x4096xf32, #tpu.memory_space<hbm>> -> memref<1x1024xf32, #tpu.memory_space<hbm>>
    %dma_start3A_84 = tpu.memref_squeeze %dma_start3A_83 : memref<1x1024xf32, #tpu.memory_space<hbm>> -> memref<1024xf32, #tpu.memory_space<hbm>>
    tpu.enqueue_dma source(%arg8 : memref<1024xf32, #tpu.memory_space<vmem>>) target(%dma_start3A_84 : memref<1024xf32, #tpu.memory_space<hbm>>) target_semaphore(%arg14 : memref<!tpu.dma_semaphore, #tpu.memory_space<semaphore_mem>>)
    %dma_start3A_85 = tpu.memref_slice %arg5[%select_n3A, %mul3A_32] : memref<4x4096xf32, #tpu.memory_space<hbm>> -> memref<1x1024xf32, #tpu.memory_space<hbm>>
    %dma_start3A_86 = tpu.memref_squeeze %dma_start3A_85 : memref<1x1024xf32, #tpu.memory_space<hbm>> -> memref<1024xf32, #tpu.memory_space<hbm>>
    %dma_start3A_87 = tpu.memref_slice %arg5[%select_n3A, %mul3A_32] : memref<4x4096xf32, #tpu.memory_space<hbm>> -> memref<1x1024xf32, #tpu.memory_space<hbm>>
    %dma_start3A_88 = tpu.memref_squeeze %dma_start3A_87 : memref<1x1024xf32, #tpu.memory_space<hbm>> -> memref<1024xf32, #tpu.memory_space<hbm>>
    tpu.enqueue_dma source(%arg9 : memref<1024xf32, #tpu.memory_space<vmem>>) target(%dma_start3A_88 : memref<1024xf32, #tpu.memory_space<hbm>>) target_semaphore(%arg14 : memref<!tpu.dma_semaphore, #tpu.memory_space<semaphore_mem>>)
    %dma_start3A_89 = tpu.memref_slice %arg6[%select_n3A, %mul3A_32] : memref<4x4096xf32, #tpu.memory_space<hbm>> -> memref<1x1024xf32, #tpu.memory_space<hbm>>
    %dma_start3A_90 = tpu.memref_squeeze %dma_start3A_89 : memref<1x1024xf32, #tpu.memory_space<hbm>> -> memref<1024xf32, #tpu.memory_space<hbm>>
    %dma_start3A_91 = tpu.memref_slice %arg6[%select_n3A, %mul3A_32] : memref<4x4096xf32, #tpu.memory_space<hbm>> -> memref<1x1024xf32, #tpu.memory_space<hbm>>
    %dma_start3A_92 = tpu.memref_squeeze %dma_start3A_91 : memref<1x1024xf32, #tpu.memory_space<hbm>> -> memref<1024xf32, #tpu.memory_space<hbm>>
    tpu.enqueue_dma source(%arg10 : memref<1024xf32, #tpu.memory_space<vmem>>) target(%dma_start3A_92 : memref<1024xf32, #tpu.memory_space<hbm>>) target_semaphore(%arg14 : memref<!tpu.dma_semaphore, #tpu.memory_space<semaphore_mem>>)
    %dma_wait3A_93 = tpu.memref_slice %arg4[%select_n3A, %mul3A_32] : memref<4x4096xf32, #tpu.memory_space<hbm>> -> memref<1x1024xf32, #tpu.memory_space<hbm>>
    %dma_wait3A_94 = tpu.memref_squeeze %dma_wait3A_93 : memref<1x1024xf32, #tpu.memory_space<hbm>> -> memref<1024xf32, #tpu.memory_space<hbm>>
    %dma_wait3A_95 = tpu.memref_slice %arg4[%select_n3A, %mul3A_32] : memref<4x4096xf32, #tpu.memory_space<hbm>> -> memref<1x1024xf32, #tpu.memory_space<hbm>>
    %dma_wait3A_96 = tpu.memref_squeeze %dma_wait3A_95 : memref<1x1024xf32, #tpu.memory_space<hbm>> -> memref<1024xf32, #tpu.memory_space<hbm>>
    tpu.wait_dma2 semaphore(%arg14 : memref<!tpu.dma_semaphore, #tpu.memory_space<semaphore_mem>>) src(%arg8 : memref<1024xf32, #tpu.memory_space<vmem>>) dst(%dma_wait3A_96 : memref<1024xf32, #tpu.memory_space<hbm>>)
    %dma_wait3A_97 = tpu.memref_slice %arg5[%select_n3A, %mul3A_32] : memref<4x4096xf32, #tpu.memory_space<hbm>> -> memref<1x1024xf32, #tpu.memory_space<hbm>>
    %dma_wait3A_98 = tpu.memref_squeeze %dma_wait3A_97 : memref<1x1024xf32, #tpu.memory_space<hbm>> -> memref<1024xf32, #tpu.memory_space<hbm>>
    %dma_wait3A_99 = tpu.memref_slice %arg5[%select_n3A, %mul3A_32] : memref<4x4096xf32, #tpu.memory_space<hbm>> -> memref<1x1024xf32, #tpu.memory_space<hbm>>
    %dma_wait3A_100 = tpu.memref_squeeze %dma_wait3A_99 : memref<1x1024xf32, #tpu.memory_space<hbm>> -> memref<1024xf32, #tpu.memory_space<hbm>>
    tpu.wait_dma2 semaphore(%arg14 : memref<!tpu.dma_semaphore, #tpu.memory_space<semaphore_mem>>) src(%arg9 : memref<1024xf32, #tpu.memory_space<vmem>>) dst(%dma_wait3A_100 : memref<1024xf32, #tpu.memory_space<hbm>>)
    %dma_wait3A_101 = tpu.memref_slice %arg6[%select_n3A, %mul3A_32] : memref<4x4096xf32, #tpu.memory_space<hbm>> -> memref<1x1024xf32, #tpu.memory_space<hbm>>
    %dma_wait3A_102 = tpu.memref_squeeze %dma_wait3A_101 : memref<1x1024xf32, #tpu.memory_space<hbm>> -> memref<1024xf32, #tpu.memory_space<hbm>>
    %dma_wait3A_103 = tpu.memref_slice %arg6[%select_n3A, %mul3A_32] : memref<4x4096xf32, #tpu.memory_space<hbm>> -> memref<1x1024xf32, #tpu.memory_space<hbm>>
    %dma_wait3A_104 = tpu.memref_squeeze %dma_wait3A_103 : memref<1x1024xf32, #tpu.memory_space<hbm>> -> memref<1024xf32, #tpu.memory_space<hbm>>
    tpu.wait_dma2 semaphore(%arg14 : memref<!tpu.dma_semaphore, #tpu.memory_space<semaphore_mem>>) src(%arg10 : memref<1024xf32, #tpu.memory_space<vmem>>) dst(%dma_wait3A_104 : memref<1024xf32, #tpu.memory_space<hbm>>)
    return
  }
}

</mosaic_0001>

<sc_bundles>
// kernel: kernel.3.cloned.1.call-start
scs
__scs_entry_jumppad:
0x0: {  	(pc) =	sbr.rel $0x88, $3  }
0x1: {  	(tag) =	ssettag $0x0;
	lr =	simm.s32 $0x1  }
0x2: {  	[smem:$0x3F9F] =	sst lr;
	_ =	strace $0xD0000000  }
0x3: {  	_ = 	snop  }
0x4: {  	_ = 	snop  }
0x5: {  	_ = 	snop  }
0x6: {  	_ = 	snop  }
0x7: {  	_ = 	snop  }
__scs_overlays_trampoline_lowered:
0x8: {  	[smem:$0x3FAE] =	sst s0  }
0x9: {  	[smem:$0x3FAF] =	sst s1  }
0xa: {  	[smem:$0x3FB0] =	sst s2  }
0xb: {  	[smem:$0x3FB1] =	sst s3  }
0xc: {  	[smem:$0x3FB2] =	sst s4  }
0xd: {  	[smem:$0x3FB3] =	sst s5  }
0xe: {  	[smem:$0x3FB4] =	sst s6  }
0xf: {  	[smem:$0x3FB5] =	sst s7  }
0x10: {  	[smem:$0x3FB6] =	sst s8  }
0x11: {  	[smem:$0x3FB7] =	sst s9;
	s0 =	simm.s32 @!p0 $0x0  }
0x12: {  	s1 =	sld [smem:$0x3F9D];
	s0 =	simm.s32 @p0 $0x1  }
0x13: {  	[smem:$0x3FB8] =	sst s0;
	s0 =	simm.s32 @!p1 $0x0  }
0x14: {  	s2 =	sld [smem:$0x3F9C];
	s0 =	simm.s32 @p1 $0x1  }
0x15: {  	[smem:$0x3FB9] =	sst s0;
	s0 =	simm.s32 @!p2 $0x0  }
0x16: {  	s3 =	sld [smem:$0x3FDB];
	s0 =	simm.s32 @p2 $0x1  }
0x17: {  	s4 =	simm.s32 $0x1BF5;
	[smem:$0x3FBB] =	sst s0  }
0x18: {  	s0 =	sld [smem:$0x3F9E];
	_ =	swait.ge [sflag:s4], $0x0  }
0x19: {  	s7 =	sld [smem:$0x3F9F]  }
0x1a: {  	s8 =	sadd.s32 $0xFFFFE003, lr  }
0x1b: {  	s9 =	sadd.s32 $0xFFFFFEF7, lr;
	s5 =	simm.s32 $0xFFFFFFFF;
	p2 =	slt.u32 s8, $0xFFFFF086  }
0x1c: {  	p1 =	slt.u32 s9, $0xF7A;
	s5 =	simm.s32 @!p2 $0x0  }
0x1d: {  	s5 =	simm.s32 @p1 $0x1;
	p0 =	seq.s32 s7, s2  }
0x1e: {  	s7 =	smul.u32 @!p0 $0xF7A, s2;
	p2 =	seq.s32 @!p0 s5, $0x0  }
0x1f: {  	s9 =	smul.u32 $0xF7A, s1;
	s8 =	simm.s32 @!p0 $0x1BF5;
	p2 =	por !p2, p0  }
0x20: {  	[sflag:s8] =	ssyncset.s32 @!p0 $0xFFFFF086;
	s6 =	sadd.s32 @!p0 s3, s7;
	s7 =	simm.s32 @!p0 $0x108  }
0x21: {  	s3 =	sadd.s32 s3, s9;
	s6 =	sadd.s32 @!p0 $0x88, s6;
	s7 =	simm.s32 @p2 $0x1082  }
0x22: {  	[simem:s7], [sflag:s8] =	dma.local @!p0 [hbm:s6], $0xF7A  }
0x23: {  	s9 =	sor.u32 $0xD0000000, s2;
	s6 =	simm.s32 $0x108;
	_ =	swait.ge @!p0 [sflag:s8], $0x0  }
0x24: {  	s3 =	sadd.s32 $0x88, s3;
	s6 =	simm.s32 @!p1 $0x1082;
	[sflag:s4] =	ssyncset.s32 $0xFFFFF086  }
0x25: {  	[simem:s6], [sflag:s4] =	dma.local [hbm:s3], $0xF7A  }
0x26: {  	[smem:$0x3F9F] =	sst s1;
	(tag) =	ssettag s2;
	_ =	strace s9  }
0x27: {  	s1 =	sld [smem:$0x3FAF]  }
0x28: {  	s2 =	sld [smem:$0x3FB0]  }
0x29: {  	s4 =	sld [smem:$0x3FB2]  }
0x2a: {  	p0 =	seq.s32 s5, $0x0;
	s5 =	sld [smem:$0x3FB3]  }
0x2b: {  	s6 =	sld [smem:$0x3FB4]  }
0x2c: {  	s7 =	sld [smem:$0x3FB5]  }
0x2d: {  	s3 =	simm.s32 $0x108;
	s8 =	sld [smem:$0x3FB6]  }
0x2e: {  	s3 =	simm.s32 @!p0 $0x1082;
	s9 =	sld [smem:$0x3FB7]  }
0x2f: {  	lr =	sadd.s32 s0, s3;
	s0 =	sld [smem:$0x3FAE]  }
0x30: {  	s3 =	sld [smem:$0x3FB1]  }
0x31: {  	[smem:$0x3FBA] =	sst s10  }
0x32: {  	s10 =	sld [smem:$0x3FB8];
	_ =	sdelay $0x3  }
0x33: {  	p0 =	seq.s32 s10, $0x1;
	s10 =	sld [smem:$0x3FBA];
	_ =	sdelay $0x3  }
0x34: {  	[smem:$0x3FBA] =	sst s10  }
0x35: {  	s10 =	sld [smem:$0x3FB9];
	_ =	sdelay $0x3  }
0x36: {  	p1 =	seq.s32 s10, $0x1;
	s10 =	sld [smem:$0x3FBA];
	_ =	sdelay $0x3  }
0x37: {  	[smem:$0x3FBA] =	sst s10  }
0x38: {  	s10 =	sld [smem:$0x3FBB]  }
0x39: {  	_ = 	snop;
	(pc) =	sbr.ind lr, $3  }
0x3a: {  	_ = 	snop  }
0x3b: {  	_ = 	snop  }
0x3c: {  	p2 =	seq.s32 s10, $0x1;
	s10 =	sld [smem:$0x3FBA]  }
0x3d: {  	_ =	shalt  }
0x3e: {  	_ =	shalt  }
0x3f: {  	_ =	shalt  }
0x40: {  	_ =	shalt  }
0x41: {  	_ =	shalt  }
0x42: {  	_ =	shalt  }
0x43: {  	_ =	shalt  }
0x44: {  	_ =	shalt  }
0x45: {  	_ =	shalt  }
0x46: {  	_ =	shalt  }
0x47: {  	_ =	shalt  }
0x48: {  	_ =	shalt  }
0x49: {  	_ =	shalt  }
0x4a: {  	_ =	shalt  }
0x4b: {  	_ =	shalt  }
0x4c: {  	_ =	shalt  }
0x4d: {  	_ =	shalt  }
0x4e: {  	_ =	shalt  }
0x4f: {  	_ =	shalt  }
0x50: {  	_ =	shalt  }
0x51: {  	_ =	shalt  }
0x52: {  	_ =	shalt  }
0x53: {  	_ =	shalt  }
0x54: {  	_ =	shalt  }
0x55: {  	_ =	shalt  }
0x56: {  	_ =	shalt  }
0x57: {  	_ =	shalt  }
0x58: {  	_ =	shalt  }
0x59: {  	_ =	shalt  }
0x5a: {  	_ =	shalt  }
0x5b: {  	_ =	shalt  }
0x5c: {  	_ =	shalt  }
0x5d: {  	_ =	shalt  }
0x5e: {  	_ =	shalt  }
0x5f: {  	_ =	shalt  }
0x60: {  	_ =	shalt  }
0x61: {  	_ =	shalt  }
0x62: {  	_ =	shalt  }
0x63: {  	_ =	shalt  }
0x64: {  	_ =	shalt  }
0x65: {  	_ =	shalt  }
0x66: {  	_ =	shalt  }
0x67: {  	_ =	shalt  }
0x68: {  	_ =	shalt  }
0x69: {  	_ =	shalt  }
0x6a: {  	_ =	shalt  }
0x6b: {  	_ =	shalt  }
0x6c: {  	_ =	shalt  }
0x6d: {  	_ =	shalt  }
0x6e: {  	_ =	shalt  }
0x6f: {  	_ =	shalt  }
0x70: {  	_ =	shalt  }
0x71: {  	_ =	shalt  }
0x72: {  	_ =	shalt  }
0x73: {  	_ =	shalt  }
0x74: {  	_ =	shalt  }
0x75: {  	_ =	shalt  }
0x76: {  	_ =	shalt  }
0x77: {  	_ =	shalt  }
0x78: {  	_ =	shalt  }
0x79: {  	_ =	shalt  }
0x7a: {  	_ =	shalt  }
0x7b: {  	_ =	shalt  }
0x7c: {  	_ =	shalt  }
0x7d: {  	_ =	shalt  }
0x7e: {  	_ =	shalt  }
0x7f: {  	_ =	shalt  }
0x80: {  	_ =	shalt  }
0x81: {  	_ =	shalt  }
0x82: {  	_ =	shalt  }
0x83: {  	_ =	shalt  }
0x84: {  	_ =	shalt  }
0x85: {  	_ =	shalt  }
0x86: {  	_ =	shalt  }
0x87: {  	_ =	shalt  }
.Lfunc_end0:
.L_simem_size_0:
called_computation_lowered:
.L_overlay_start_0:
0x88: {  	s0 =	sld [smem:$0x3FD9]  }
0x89: {  	s1 =	sld [smem:$0x3FFE];
	_ =	sdelay $0x3  }
0x8a: {  	s0 =	sadd.s32 s1, s0  }
0x8b: {  	[smem:$0x3FC6] =	sst s0  }
0x8c: {  	_ = 	snop  }
0x8d: {  	s0 =	sld [smem:$0x3FD0];
	_ =	sdelay $0x1  }
0x8e: {  	s14 =	sld [smem:$0x3FC9]  }
0x8f: {  	s3 =	simm.s32 $0xA;
	s4 =	simm.s32 $0x10;
	s2 =	sld [smem:$0x3FC8]  }
0x90: {  	[smem:s4], [sflag:s3] =	dma.local [hbm:s0], $0x1  }
0x91: {  	_ =	swait.eq [sflag:s3], $0x1  }
0x92: {  	s15 =	sld [smem:$0x10];
	[sflag:s3] =	ssyncset.done $0x0  }
0x93: {  	s16 =	sld [smem:$0x11];
	[sflag:s3] =	ssyncadd.s32 $0xFFFFFFFF  }
0x94: {  	s17 =	sld [smem:$0x12];
	(tm) =	ssettm $0x1  }
0x95: {  	s5 =	sld [smem:$0x3FFB];
	_ =	sdelay $0x3  }
0x96: {  	_ =	strace s5  }
0x97: {  	s5 =	sld [smem:$0x3FFC];
	_ =	sdelay $0x3  }
0x98: {  	_ =	strace s5  }
0x99: {  	s5 =	sld [smem:$0x3FFD];
	_ =	sdelay $0x3  }
0x9a: {  	_ =	strace s5  }
0x9b: {  	_ =	strace $0x8FFFFFFF  }
0x9c: {  	s18 =	sld [smem:$0x3FDB];
	_ =	sdelay $0x1  }
0x9d: {  	s6 =	simm.s32 $_scs_section_size  }
0x9e: {  	s7 =	simm.s32 $_size__tile_overlayer_lowered;
	s8 =	simm.s32 $_tile_overlayer_lowered  }
0x9f: {  	s21 =	simm.s32 $0x1BFF;
	s20 =	sshll.u32 s8, $0x1;
	s5 =	sadd.s32 s6, s18  }
0xa0: {  	s9 =	simm.s32 $0x0;
	s19 =	sshll.u32 s7, $0x1;
	s7 =	sadd.s32 s20, s5  }
0xa1: {  	[timem:s9], [sflag:s21] =	dma.local [hbm:s7], s19  }
0xa2: {  	_ =	swait.ge [sflag:s21], s19  }
0xa3: {  	s6 =	ssub.s32 $0x0, s19;
	[sflag:s21] =	ssyncset.done $0x0  }
0xa4: {  	[sflag:s21] =	ssyncadd.s32 s6;
	_ =	sdelay $0x1  }
0xa5: {  	s22 =	simm.s32 $0x1B8B  }
0xa6: {  	_ =	swait.ge [sflag:s22], $0x1  }
0xa7: {  	[sflag:s22] =	ssyncset.done $0x0  }
0xa8: {  	s23 =	simm.s32 $0x1B8E;
	[sflag:s22] =	ssyncadd.s32 $0xFFFFFFFF  }
0xa9: {  	s24 =	simm.s32 $execute0_lowered;
	[smem:$0x3FD2] =	sst s23  }
0xaa: {  	s6 =	sshll.u32 s24, $0x1;
	_ =	strace $0x80000046;
	[dreg:$0x1] =	wrdreg $0xFFFFFFFF  }
0xab: {  	s25 =	simm.s32 $_size_execute0_lowered;
	s5 =	sadd.s32 s5, s6;
	[dreg:$0x0] =	wrdreg $0x0  }
0xac: {  	s6 =	sshll.u32 s25, $0x1;
	[dreg:$0x2] =	wrdreg s5  }
0xad: {  	[dreg:$0x3] =	wrdreg s6  }
0xae: {  	[dreg:$0x4] =	wrdreg $0xC0  }
0xaf: {  	_ =	task [dreg:s9], $0x5FFFF  }
0xb0: {  	[dreg:$0x1] =	wrdreg $0xFFFFFFFF  }
0xb1: {  	[dreg:$0x0] =	wrdreg $0x60  }
0xb2: {  	[dreg:$0x2] =	wrdreg s14  }
0xb3: {  	[dreg:$0x3] =	wrdreg s2  }
0xb4: {  	[dreg:$0x4] =	wrdreg s15  }
0xb5: {  	[dreg:$0x5] =	wrdreg s16  }
0xb6: {  	[dreg:$0x6] =	wrdreg s17  }
0xb7: {  	[dreg:$0x7] =	wrdreg $0x9  }
0xb8: {  	_ =	task.clear_ibuf [dreg:s9], $0x8FFFF;
	_ =	strace $0x90000046  }
0xb9: {  	s26 =	simm.s32 $0x9;
	_ =	strace $0x80000048  }
0xba: {  	_ =	swait.ge [sflag:s26], $0x1  }
0xbb: {  	[sflag:s26] =	ssyncadd.s32 $0xFFFFFFFF  }
0xbc: {  	_ =	strace $0x90000048  }
0xbd: {  	_ =	sfence  }
0xbe: {  	s28 =	sld [smem:$0x0];
	_ =	sdelay $0x1  }
0xbf: {  	s29 =	srdreg.scid  }
0xc0: {  	s30 =	sshll.u32 s29, $0xD;
	s31 =	sshrl.u32 s29, $0x2  }
0xc1: {  	s1 =	sand.u32 $0x1, s29;
	s2 =	sand.u32 $0x4000, s30;
	s0 =	sadd.s32 s31, s28  }
0xc2: {  	s1 =	sor.u32 s2, s1;
	s0 =	sshll.u32 s0, $0x11  }
0xc3: {  	s0 =	sor.u32 s0, s1  }
0xc4: {  	s0 =	sadd.s32 $0x8F2B, s0  }
0xc5: {  	[sflag:s0] =	ssyncadd.remote.s32 $0x1  }
0xc6: {  	_ =	sfence.sel $0xFFFF  }
0xc7: {  	[dreg:$0x0] =	wrdreg $0xFFFFFFFF;
	(pc) =	sbr.abs _section_cstart, $3  }
0xc8: {  	[dreg:$0x1] =	wrdreg $0xFFFFFFFF  }
0xc9: {  	_ =	task.clear_ibuf [dreg:s9], $0x2FFFF;
	_ =	strace $0x9FFFFFFF  }
0xca: {  	(tm) =	ssettm $0x7FFFFFFF  }
0xcb: {  	_ =	shalt  }
tec
execute0_lowered:
.L_overlay_start_1:
0x0: {  	(tag) =	ssettag $0x1  }
0x1: {  	s6 =	rddreg [dreg:$0x0]  }
0x2: {  	s7 =	rddreg [dreg:$0x1]  }
0x3: {  	s4 =	rddreg [dreg:$0x2]  }
0x4: {  	s3 =	rddreg [dreg:$0x3]  }
0x5: {  	s2 =	rddreg [dreg:$0x4]  }
0x6: {  	s0 =	rddreg [dreg:$0x5];
	s1 =	stileid.u32  }
0x7: {  	s8 =	simm.s32 $0x0;
	s5 =	sshll.u32 s1, $0x9;
	s9 =	sshll.u32 s1, $0x2  }
0x8: {  	s21 =	simm.s32 $0x1000;
	[smem:$0x7FF] =	sst s8;
	s5 =	sor.u32 s9, s5  }
0x9: {  	s22 =	simm.s32 $0x80;
	_ =	strace $0x80000047;
	s5 =	sand.u32 $0x630, s5  }
0xa: {  	[tilespmem:s21], [sflag:$0x2] =	stream.linear.gather [hbm4b:s7+s8], $0x10, $0x38;
	[tilespmem:$0x1080] =	vst v63  }
0xb: {  	s23 =	simm.s32 $0x200;
	s24 =	simm.s32 $0x2;
	s6 =	sadd.s32 s6, s5  }
0xc: {  	[tilespmem:s8], [sflag:$0x1] =	stream.strided.gather [hbm4b:s6+s22], $0x400, s23, s22, $0x38;
	[tilespmem:$0x1080] =	vst v63  }
0xd: {  	_ =	swait.ge [sflag:s24], $0x10  }
0xe: {  	[sflag:s24] =	ssyncset.done $0x0  }
0xf: {  	[sflag:s24] =	ssyncadd.s32 $0xFFFFFFF0  }
0x10: {  	v0 =	vld [tilespmem:$0x1000];
	_ =	sdelay $0x3  }
0x11: {  	v1 =	vimm.s32 $0x7  }
0x12: {  	v0 =	vperm.xlane v0, v1;
	_ =	sdelay $0x1  }
0x13: {  	v0 =	vsub.f32 $0.0e+00, v0;
	_ =	sdelay $0x1  }
0x14: {  	v0 =	vmul.f32 $1.442695020e+00, v0;
	_ =	sdelay $0x1  }
0x15: {  	(erf) = vpow2.f32 v0;
	_ =	sdelay $0x8  }
0x16: {  	v0 =	vpop (erf)  }
0x17: {  	v0 =	vadd.f32 $1.000000000e+00, v0;
	_ =	sdelay $0x1  }
0x18: {  	(erf) = vrcp.f32 v0;
	_ =	sdelay $0x8  }
0x19: {  	s25 =	simm.s32 $0x1;
	v0 =	vpop (erf)  }
0x1a: {  	_ =	swait.ge [sflag:s25], $0x400  }
0x1b: {  	[sflag:s25] =	ssyncset.done $0x0  }
0x1c: {  	s26 =	simm.s32 $0x10;
	[sflag:s25] =	ssyncadd.s32 $0xFFFFFC00  }
0x1d: {  	v8 =	vld [tilespmem:s26+$0x0]  }
0x1e: {  	v0 =	vmul.f32 $9.900000090e-01, v0;
	v1 =	vld [tilespmem:s26+$0xFFFFFFF0];
	_ =	sdelay $0x1  }
0x1f: {  	v0 =	vadd.f32 $9.999999770e-03, v0;
	_ =	sdelay $0x1  }
0x20: {  	s28 =	simm.s32 $0x30;
	v2 =	vsub.f32 v0, v8  }
0x21: {  	v6 =	vld [tilespmem:s28+$0x0];
	v3 =	vsub.f32 v0, v1  }
0x22: {  	v2 =	vmul.f32 $1.442695020e+00, v2  }
0x23: {  	v3 =	vmul.f32 $1.442695020e+00, v3  }
0x24: {  	v5 =	vld [tilespmem:s28+$0xFFFFFFF0];
	(erf) = vpow2.f32 v2  }
0x25: {  	(erf) = vpow2.f32 v3  }
0x26: {  	v2 =	vsub.f32 v0, v6  }
0x27: {  	s29 =	simm.s32 $0x50  }
0x28: {  	v4 =	vld [tilespmem:s29+$0x0];
	v2 =	vmul.f32 $1.442695020e+00, v2  }
0x29: {  	v3 =	vsub.f32 v0, v5  }
0x2a: {  	v7 =	vld [tilespmem:s29+$0xFFFFFFF0];
	(erf) = vpow2.f32 v2  }
0x2b: {  	v3 =	vmul.f32 $1.442695020e+00, v3;
	_ =	sdelay $0x1  }
0x2c: {  	(erf) = vpow2.f32 v3;
	v3 =	vsub.f32 v0, v4;
	v2 =	vpop (erf)  }
0x2d: {  	s30 =	simm.s32 $0x70;
	v2 =	vadd.f32 $1.000000000e+00, v2;
	v9 =	vpop (erf)  }
0x2e: {  	v10 =	vsub.f32 v0, v7;
	v11 =	vmul.f32 $1.442695020e+00, v3;
	v3 =	vld [tilespmem:s30+$0x0];
	v9 =	vadd.f32 $1.000000000e+00, v9  }
0x2f: {  	(erf) = vrcp.f32 v2  }
0x30: {  	v10 =	vmul.f32 $1.442695020e+00, v10;
	(erf) = vrcp.f32 v9  }
0x31: {  	v12 =	vld [tilespmem:s30+$0xFFFFFFF0];
	vm0 =	vgt.f32 v1, v0;
	(erf) = vpow2.f32 v11  }
0x32: {  	v1 =	vimm.f32 $2.748779070e+11;
	vm1 =	vgt.f32 v5, v0;
	v5 =	vpop (erf);
	(erf) = vpow2.f32 v10  }
0x33: {  	s31 =	simm.s32 $0x90;
	v2 =	vimm.f32 $0.0e+00;
	v15 =	vsub.f32 v0, v3;
	v11 =	vadd.f32 $1.000000000e+00, v5  }
0x34: {  	v18 =	vld [tilespmem:s31+$0xFFFFFFF0];
	v9 =	vsel vm1, $0x0, v1;
	v10 =	vsel vm1, $0x3F800000, v2;
	vm1 =	vgt.f32 v8, v0  }
0x35: {  	v16 =	vpop (erf);
	(erf) = vrcp.f32 v11;
	v11 =	vsel vm1, $0x3F800000, v2  }
0x36: {  	v17 =	vsub.f32 v0, v12;
	v5 =	vld [tilespmem:s31+$0x0];
	v15 =	vmul.f32 $1.442695020e+00, v15;
	v16 =	vadd.f32 $1.000000000e+00, v16  }
0x37: {  	s6 =	simm.s32 $0x410;
	v13 =	vsel vm0, $0x0, v1;
	v14 =	vsel vm0, $0x3F800000, v2;
	vm0 =	vgt.f32 v7, v0  }
0x38: {  	v17 =	vmul.f32 $1.442695020e+00, v17;
	v7 =	vsel vm0, $0x3F800000, v2;
	[tilespmem:s6+$0x0] =	vst v11;
	v11 =	vpop (erf);
	(erf) = vrcp.f32 v16  }
0x39: {  	s7 =	simm.s32 $0x810;
	[tilespmem:s6+$0xFFFFFFF0] =	vst v14;
	v14 =	vsub.f32 v0, v18;
	v8 =	vsel vm0, $0x0, v1;
	v19 =	vpop (erf);
	(erf) = vpow2.f32 v15  }
0x3a: {  	s8 =	simm.s32 $0xC10;
	vm0 =	vgt.f32 v12, v0;
	v16 =	vsel vm1, $0x0, v1;
	[tilespmem:s7+$0x0] =	vst v11;
	v15 =	vpop (erf);
	(erf) = vpow2.f32 v17  }
0x3b: {  	v12 =	vsel vm0, $0x3F800000, v2;
	[tilespmem:s8+$0x0] =	vst v16;
	v16 =	vsub.f32 v0, v5;
	v17 =	vadd.f32 $1.000000000e+00, v15;
	v15 =	vpop (erf)  }
0x3c: {  	s10 =	simm.s32 $0xB0;
	s9 =	simm.s32 $0x80;
	v11 =	vsel vm0, $0x0, v1;
	vm0 =	vgt.f32 v18, v0;
	[tilespmem:s7+$0xFFFFFFF0] =	vst v19;
	v15 =	vadd.f32 $1.000000000e+00, v15  }
.LBB2_1:
0x3d: {  	v16 =	vmul.f32 $1.442695020e+00, v16;
	(erf) = vrcp.f32 v17;
	vm1 =	vgt.f32 v6, v0;
	v6 =	vmovc v4;
	v4 =	vmovc v3  }
0x3e: {  	[tilespmem:s8+$0xFFFFFFF0] =	vst v13;
	v3 =	vmovc v5;
	v5 =	vld [tilespmem:s10+$0x0];
	v18 =	vmovc v12;
	v13 =	vmov v9;
	v9 =	vmov v8;
	v8 =	vmov v11;
	s9 =	sadd.s32 $0x20, s9  }
0x3f: {  	s6 =	sadd.s32 $0x20, s6;
	v19 =	vld [tilespmem:s10+$0xFFFFFFF0];
	v14 =	vmul.f32 $1.442695020e+00, v14;
	(erf) = vrcp.f32 v15;
	v17 =	vsel vm1, $0x3F800000, v2;
	p0 =	slt.u32 s9, $0x3E0  }
.Ltmp0:
0x40: {  	v12 =	vsel vm0, $0x3F800000, v2;
	v11 =	vsel vm0, $0x0, v1;
	s7 =	sadd.s32 $0x20, s7;
	(erf) = vpow2.f32 v16;
	[tilespmem:s6+$0x0] =	vst v17;
	v15 =	vpop (erf);
	(pc) =	sbr.rel @p0 .LBB2_1-.Ltmp0, $4  }
0x41: {  	s8 =	sadd.s32 $0x20, s8;
	(erf) = vpow2.f32 v14;
	[tilespmem:s7+$0x0] =	vst v15;
	v14 =	vsel vm1, $0x0, v1;
	v20 =	vpop (erf)  }
0x42: {  	v15 =	vpop (erf);
	[tilespmem:s8+$0x0] =	vst v14  }
0x43: {  	v16 =	vsub.f32 v0, v5;
	v17 =	vadd.f32 $1.000000000e+00, v15;
	v15 =	vpop (erf);
	[tilespmem:s6+$0xFFFFFFF0] =	vst v10;
	v10 =	vmov v7  }
0x44: {  	s10 =	sadd.s32 $0x20, s10;
	v7 =	vmovc v18;
	v14 =	vsub.f32 v0, v19;
	vm0 =	vgt.f32 v19, v0;
	v15 =	vadd.f32 $1.000000000e+00, v15;
	[tilespmem:s7+$0xFFFFFFF0] =	vst v20  }
0x45: {  	v16 =	vmul.f32 $1.442695020e+00, v16;
	(erf) = vrcp.f32 v17  }
0x46: {  	(erf) = vrcp.f32 v15  }
0x47: {  	v42 =	vmul.f32 $1.442695020e+00, v14;
	(erf) = vpow2.f32 v16  }
0x48: {  	vm1 =	vgt.f32 v6, v0;
	[tilespmem:s8+$0xFFFFFFF0] =	vst v13;
	s6 =	sadd.s32 $0x20, s6  }
0x49: {  	v43 =	vpop (erf);
	v44 =	vsel vm1, $0x3F800000, v2;
	[tilespmem:s6+$0xFFFFFFF0] =	vst v10;
	(erf) = vpow2.f32 v42  }
0x4a: {  	s7 =	sadd.s32 $0x20, s7;
	vm13 =	vgt.f32 v4, v0;
	[tilespmem:s6+$0x0] =	vst v44  }
0x4b: {  	v51 =	vsel vm13, $0x3F800000, v2;
	s6 =	sadd.s32 $0x20, s6;
	v45 =	vpop (erf);
	[tilespmem:s7+$0x0] =	vst v43  }
0x4c: {  	[tilespmem:s6+$0x0] =	vst v51;
	v46 =	vpop (erf)  }
0x4d: {  	s24 =	sadd.s32 $0x20, s8;
	v47 =	vsel vm1, $0x0, v1;
	[tilespmem:s6+$0xFFFFFFF0] =	vst v7;
	v6 =	vadd.f32 $1.000000000e+00, v46;
	v48 =	vpop (erf)  }
0x4e: {  	vm14 =	vgt.f32 v3, v0;
	[tilespmem:s24+$0x0] =	vst v47;
	v50 =	vpop (erf)  }
0x4f: {  	v3 =	vsel vm14, $0x3F800000, v2;
	s6 =	sadd.s32 $0x20, s6;
	[tilespmem:s7+$0xFFFFFFF0] =	vst v45;
	v49 =	vadd.f32 $1.000000000e+00, v48;
	(erf) = vrcp.f32 v6;
	v52 =	vpop (erf)  }
0x50: {  	[tilespmem:s6+$0x0] =	vst v3;
	v53 =	vpop (erf)  }
0x51: {  	vm15 =	vgt.f32 v5, v0;
	[tilespmem:s6+$0xFFFFFFF0] =	vst v12;
	(erf) = vrcp.f32 v49;
	v6 =	vadd.f32 $1.000000000e+00, v53  }
0x52: {  	v0 =	vsel vm15, $0x3F800000, v2;
	s6 =	sadd.s32 $0x20, s6;
	[tilespmem:s24+$0xFFFFFFF0] =	vst v9;
	v55 =	vpop (erf)  }
0x53: {  	v61 =	vsel vm0, $0x3F800000, v2;
	[tilespmem:s6+$0x0] =	vst v0;
	v4 =	vadd.f32 $1.000000000e+00, v55;
	(erf) = vrcp.f32 v6  }
0x54: {  	s7 =	sadd.s32 $0x20, s7;
	[tilespmem:s6+$0xFFFFFFF0] =	vst v61  }
0x55: {  	v54 =	vsel vm13, $0x0, v1;
	s8 =	sadd.s32 $0x20, s24;
	[tilespmem:s7+$0x0] =	vst v50;
	(erf) = vrcp.f32 v4  }
0x56: {  	[tilespmem:s8+$0x0] =	vst v54  }
0x57: {  	[tilespmem:s7+$0xFFFFFFF0] =	vst v52  }
0x58: {  	s7 =	sadd.s32 $0x20, s7;
	[tilespmem:s8+$0xFFFFFFF0] =	vst v8;
	v56 =	vpop (erf)  }
0x59: {  	v57 =	vsel vm14, $0x0, v1;
	s8 =	sadd.s32 $0x20, s8;
	[tilespmem:s7+$0x0] =	vst v56  }
0x5a: {  	v58 =	vpop (erf);
	[tilespmem:s8+$0x0] =	vst v57  }
0x5b: {  	[tilespmem:s7+$0xFFFFFFF0] =	vst v58  }
0x5c: {  	s7 =	sadd.s32 $0x20, s7;
	[tilespmem:s8+$0xFFFFFFF0] =	vst v11;
	v59 =	vpop (erf)  }
0x5d: {  	v60 =	vsel vm15, $0x0, v1;
	s8 =	sadd.s32 $0x20, s8;
	[tilespmem:s7+$0x0] =	vst v59  }
0x5e: {  	v62 =	vpop (erf);
	[tilespmem:s8+$0x0] =	vst v60  }
0x5f: {  	v63 =	vsel vm0, $0x0, v1;
	s4 =	sadd.s32 s4, s5;
	[tilespmem:s7+$0xFFFFFFF0] =	vst v62  }
0x60: {  	s25 =	simm.s32 $0x80;
	s26 =	simm.s32 $0x200;
	s28 =	simm.s32 $0x400;
	[tilespmem:s8+$0xFFFFFFF0] =	vst v63  }
0x61: {  	[hbm4b:s4+s25] =	stream.strided.scatter [tilespmem:s28], [sflag:$0x3], $0x400, s26, s25, $0x38;
	[tilespmem:$0x1080] =	vst v63  }
0x62: {  	s3 =	sadd.s32 s3, s5;
	s29 =	simm.s32 $0x800  }
0x63: {  	[hbm4b:s3+s25] =	stream.strided.scatter [tilespmem:s29], [sflag:$0x3], $0x400, s26, s25, $0x38;
	[tilespmem:$0x1080] =	vst v63  }
0x64: {  	s2 =	sadd.s32 s2, s5;
	s30 =	simm.s32 $0xC00;
	s31 =	simm.s32 $0x3  }
0x65: {  	[hbm4b:s2+s25] =	stream.strided.scatter [tilespmem:s30], [sflag:$0x3], $0x400, s26, s25, $0x38;
	[tilespmem:$0x1080] =	vst v63  }
0x66: {  	_ =	swait.ge [sflag:s31], $0x400  }
0x67: {  	[sflag:s31] =	ssyncset.done $0x0  }
0x68: {  	[sflag:s31] =	ssyncadd.s32 $0xFFFFFC00  }
0x69: {  	_ =	swait.ge [sflag:s31], $0x400  }
0x6a: {  	[sflag:s31] =	ssyncset.done $0x0  }
0x6b: {  	[sflag:s31] =	ssyncadd.s32 $0xFFFFFC00  }
0x6c: {  	_ =	swait.ge [sflag:s31], $0x400  }
0x6d: {  	[sflag:s31] =	ssyncset.done $0x0  }
0x6e: {  	[sflag:s31] =	ssyncadd.s32 $0xFFFFFC00  }
0x6f: {  	_ =	sfence.sel $0x180000  }
0x70: {  	[bflag:$0x0] =	sbarrier.arrive $0xFFFF  }
0x71: {  	p0 =	sne.s32 s1, $0x0;
	_ =	strace $0x90000047  }
0x72: {  	s0 =	sadd.s32 @!p0 $0x100000, s0;
	[bflag:$0x2] =	sbarrier.arrive $0xFFFF  }
0x73: {  	[sflag:s0] =	ssyncadd.tile.s32 @!p0 $0x1;
	_ =	shalt  }
.Lfunc_end2:
_tile_overlayer_lowered:
.L_overlay_start_2:
0x74: {  	(tag) =	ssettag $0x2  }
0x75: {  	s0 =	rddreg [dreg:$0x0];
	s2 =	stileid.u32  }
0x76: {  	s1 =	rddreg [dreg:$0x1];
	p0 =	sne.s32 s2, $0x0  }
0x77: {  	s3 =	rddreg [dreg:$0x2];
	[bflag:$0x3] =	sbarrier.arrive $0xFFFF;
	s2 =	simm.s32 @!p0 $0x1C04  }
0x78: {  	[timem:s3], [sflag:s2] =	dma.local @!p0 [hbm:s0], s1  }
0x79: {  	s0 =	simm.s32 @!p0 $0x4  }
0x7a: {  	_ =	swait.ge @!p0 [sflag:s0], s1  }
0x7b: {  	s1 =	ssub.s32 @!p0 $0x0, s1;
	[sflag:s0] =	ssyncset.done @!p0 $0x0  }
0x7c: {  	[sflag:s0] =	ssyncadd.s32 @!p0 s1  }
0x7d: {  	[bflag:$0x3] =	sbarrier.arrive $0xFFFF  }
0x7e: {  	_ =	shalt  }

</sc_bundles>
